<compile_context>
chip_gen: v7x
topology: tpu7x:2x2x1
jax: 0.10.2.dev20260603
libtpu: 0.0.44.dev20260713+nightly
codegen_flags: <defaults>
</compile_context>

<pallas_src>
import functools

import jax
import jax.numpy as jnp
from jax import lax
from jax.experimental import pallas as pl
from jax.experimental.pallas import tpu as pltpu
from jax.experimental.pallas import tpu_sc as plsc

_TOKENS = 16384
_DIM = 4096
_E = 64
_K = 8
_BR = 1024
_NW = 32
_C = _TOKENS // _NW


def _matmul_kernel(x_ref, w_ref, out_ref):
    out_ref[...] = jax.lax.dot_general(
        x_ref[...], w_ref[...],
        dimension_numbers=(((1,), (1,)), ((), ())),
        preferred_element_type=jnp.float32,
    )


def _tc_logits(x, W):
    return pl.pallas_call(
        _matmul_kernel,
        grid=(_TOKENS // _BR,),
        in_specs=[
            pl.BlockSpec((_BR, _DIM), lambda i: (i, 0)),
            pl.BlockSpec((_E, _DIM), lambda i: (0, 0)),
        ],
        out_specs=pl.BlockSpec((_BR, _E), lambda i: (i, 0)),
        out_shape=jax.ShapeDtypeStruct((_TOKENS, _E), jnp.float32),
    )(x, W)


def _merge16(av, ai, bv, bi):
    rbv = lax.rev(bv, dimensions=(0,))
    rbi = lax.rev(bi, dimensions=(0,))
    take_a = (av > rbv) | ((av == rbv) & (ai < rbi))
    hv = jnp.where(take_a, av, rbv)
    hi = jnp.where(take_a, ai, rbi)
    return plsc.sort_key_val(hv, hi, descending=True)


def _sc_gate_kernel(lt_hbm, fw_hbm, idx_hbm, lt_v, fw_v, idx_v, sem):
    wid = lax.axis_index("s") * 2 + lax.axis_index("c")
    base = wid * _C
    pltpu.sync_copy(lt_hbm.at[pl.ds(base * _E, _C * _E)], lt_v)

    zeros16 = jnp.zeros((16,), jnp.float32)

    def _zero_body(i, carry):
        fw_v[pl.ds(i * 16, 16)] = zeros16
        return carry

    lax.fori_loop(0, _C * _E // 16, _zero_body, 0)

    lane = lax.iota(jnp.int32, 16)
    lane_lt8 = lane < 8

    def _tok_body(t, carry):
        svs = []
        sis = []
        for k in range(4):
            v = lt_v[pl.ds(t * _E + 16 * k, 16)]
            i = lane + (16 * k)
            sv, si = plsc.sort_key_val(v, i, descending=True)
            svs.append(sv)
            sis.append(si)
        m0v, m0i = _merge16(svs[0], sis[0], svs[1], sis[1])
        m1v, m1i = _merge16(svs[2], sis[2], svs[3], sis[3])
        tv, ti = _merge16(m0v, m0i, m1v, m1i)

        mval = jnp.max(tv)
        e = jnp.exp(tv - mval)
        em = jnp.where(lane_lt8, e, 0.0)
        s = jnp.sum(em)
        w = em / jnp.broadcast_to(s, (16,))

        flat_idx = t * _E + ti
        plsc.store_scatter(fw_v, [flat_idx], w, mask=lane_lt8)
        plsc.store_compressed(idx_v.at[pl.ds(t * _K, 16)], ti, mask=lane_lt8)
        return carry

    lax.fori_loop(0, _C, _tok_body, 0)

    pltpu.sync_copy(fw_v, fw_hbm.at[pl.ds(base * _E, _C * _E)])
    pltpu.sync_copy(idx_v.at[pl.ds(0, _C * _K)],
                    idx_hbm.at[pl.ds(base * _K, _C * _K)])


_sc_gate = functools.partial(
    pl.kernel,
    out_type=[
        jax.ShapeDtypeStruct((_TOKENS * _E,), jnp.float32),
        jax.ShapeDtypeStruct((_TOKENS * _K,), jnp.int32),
    ],
    mesh=plsc.VectorSubcoreMesh(core_axis_name="c", subcore_axis_name="s"),
    scratch_types=[
        pltpu.VMEM((_C * _E,), jnp.float32),
        pltpu.VMEM((_C * _E,), jnp.float32),
        pltpu.VMEM((_C * _K + 16,), jnp.int32),
        pltpu.SemaphoreType.DMA,
    ],
    compiler_params=pltpu.CompilerParams(needs_layout_passes=False),
)(_sc_gate_kernel)


@jax.jit
def kernel(x, W):
    logits = _tc_logits(x, W)
    fw_flat, idx_flat = _sc_gate(logits.reshape(_TOKENS * _E))
    return fw_flat.reshape(_TOKENS, _E), idx_flat.reshape(_TOKENS, _K)

# --- scband reference (transcript-rebuilt; emitter-appended) ---
"""Pipeline reference for scband-top-kgate-33414845563680 (READ-ONLY COPY).

The authoritative reference and input builder live on the scoring server;
editing this copy changes nothing except your own understanding.
"""

import jax, jax.numpy as jnp
import numpy as np

TOKENS = 16384
DIM = 4096
NUM_EXPERTS = 64
TOPK = 8

def setup_inputs(seed: int = 0) -> dict:
    key = jax.random.key(seed)
    k1, k2 = jax.random.split(key)
    x = jax.random.normal(k1, (TOKENS, DIM), dtype=jnp.float32)
    # gate_linear weight, shape [num_experts, input_dim], no bias (torch Linear layout)
    W = jax.random.normal(k2, (NUM_EXPERTS, DIM), dtype=jnp.float32) * (1.0 / np.sqrt(DIM))
    return {"x": x, "W": W}

def reference(x, W):
    # x = self.gate_linear(x)
    logits = x @ W.T
    # top_k_logits, top_k_indices = torch.topk(x, k, dim=-1)
    top_vals, top_idx = jax.lax.top_k(logits, TOPK)
    # softmax over the top-k logits
    top_w = jax.nn.softmax(top_vals, axis=-1)
    # full_weights = zeros_like(x); full_weights.scatter_(1, top_k_indices, top_k_logits)
    rows = jnp.arange(logits.shape[0])[:, None]
    full_weights = jnp.zeros_like(logits).at[rows, top_idx].set(top_w)
    return (full_weights, top_idx)

if __name__ == "__main__":
    import jax
    _d = setup_inputs()
    print(jax.jit(kernel)(*tuple(_d.values())))

</pallas_src>

<mosaic_0001>
#map = affine_map<(d0, d1) -> (0)>
module attributes {stable_mosaic.version = 14 : i64} {
  func.func @_sc_gate_kernel(%arg0: i32, %arg1: i32, %arg2: memref<1048576xf32, #tpu.memory_space<hbm>>, %arg3: memref<1048576xf32, #tpu.memory_space<hbm>>, %arg4: memref<131072xi32, #tpu.memory_space<hbm>>, %arg5: memref<32768xf32, #tpu.memory_space<vmem>>, %arg6: memref<32768xf32, #tpu.memory_space<vmem>>, %arg7: memref<4112xi32, #tpu.memory_space<vmem>>, %arg8: memref<!tpu.dma_semaphore, #tpu.memory_space<semaphore_mem>>) attributes {dimension_semantics = [#tpu.dimension_semantics<core_parallel>, #tpu.dimension_semantics<subcore_parallel>], iteration_bounds = array<i64: 2, 16>, scalar_prefetch = 0 : i64, scratch_operands = 4 : i64, tpu.core_type = #tpu.core_type<sc_vector_subcore>, window_params = [{transform_indices = #map}, {transform_indices = #map}, {transform_indices = #map}]} {
    %mul3A = arith.constant 2 : i32
    %mul3A_0 = arith.muli %arg1, %mul3A : i32
    %add3A = arith.addi %mul3A_0, %arg0 : i32
    %mul3A_1 = arith.constant 512 : i32
    %mul3A_2 = arith.muli %add3A, %mul3A_1 : i32
    %mul3A_3 = arith.constant 64 : i32
    %mul3A_4 = arith.muli %mul3A_2, %mul3A_3 : i32
    "tpu.region"() ({
      %run_scoped3A = tpu.sem_alloc : memref<!tpu.dma_semaphore, #tpu.memory_space<semaphore_mem>>
      %dma_start3A = tpu.memref_slice %arg2[%mul3A_4] : memref<1048576xf32, #tpu.memory_space<hbm>> -> memref<32768xf32, #tpu.memory_space<hbm>>
      %dma_start3A_23 = tpu.memref_slice %arg2[%mul3A_4] : memref<1048576xf32, #tpu.memory_space<hbm>> -> memref<32768xf32, #tpu.memory_space<hbm>>
      tpu.enqueue_dma source(%dma_start3A_23 : memref<32768xf32, #tpu.memory_space<hbm>>) target(%arg5 : memref<32768xf32, #tpu.memory_space<vmem>>) target_semaphore(%run_scoped3A : memref<!tpu.dma_semaphore, #tpu.memory_space<semaphore_mem>>)
      %dma_wait3A = tpu.memref_slice %arg2[%mul3A_4] : memref<1048576xf32, #tpu.memory_space<hbm>> -> memref<32768xf32, #tpu.memory_space<hbm>>
      %dma_wait3A_24 = tpu.memref_slice %arg2[%mul3A_4] : memref<1048576xf32, #tpu.memory_space<hbm>> -> memref<32768xf32, #tpu.memory_space<hbm>>
      tpu.wait_dma2 semaphore(%run_scoped3A : memref<!tpu.dma_semaphore, #tpu.memory_space<semaphore_mem>>) src(%dma_wait3A_24 : memref<32768xf32, #tpu.memory_space<hbm>>) dst(%arg5 : memref<32768xf32, #tpu.memory_space<vmem>>)
      tpu.yield
    }) : () -> ()
    %broadcast_in_dim3A = arith.constant 0.000000e+00 : f32
    %broadcast_in_dim3A_5 = vector.broadcast %broadcast_in_dim3A : f32 to vector<16xf32>
    %scan3A = arith.constant 0 : i32
    %scan3A_6 = arith.constant 0 : i32
    %scan3A_7 = arith.constant 2048 : i32
    %scan3A_8 = arith.addi %scan3A_6, %scan3A_7 : i32
    %scan3A_9 = arith.constant 1 : i32
    scf.for %scan3A_23 = %scan3A_6 to %scan3A_8 step %scan3A_9  : i32 {
      %mul3A_24 = arith.constant 16 : i32
      %mul3A_25 = arith.muli %scan3A_23, %mul3A_24 : i32
      %swap3A = arith.index_cast %mul3A_25 : i32 to index
      %swap3A_26 = tpu.vector_load %arg6[%swap3A] {strides = array<i32>} : memref<32768xf32, #tpu.memory_space<vmem>>, vector<16xf32>,
      tpu.vector_store %arg6[%swap3A], %broadcast_in_dim3A_5 {strides = array<i32>} : memref<32768xf32, #tpu.memory_space<vmem>>, vector<16xf32>,
    }
    %scan3A_10 = arith.constant 2048 : i32
    %iota3A = tpu.iota {dimensions = array<i32: 0>} : vector<16xi32>
    %lt3A = arith.constant 8 : i32
    %lt3A_11 = vector.broadcast %lt3A : i32 to vector<16xi32>
    %lt3A_12 = arith.cmpi slt, %iota3A, %lt3A_11 : vector<16xi32>
    %scan3A_13 = arith.constant 0 : i32
    %scan3A_14 = arith.constant 0 : i32
    %scan3A_15 = arith.constant 512 : i32
    %scan3A_16 = arith.addi %scan3A_14, %scan3A_15 : i32
    %scan3A_17 = arith.constant 1 : i32
    scf.for %scan3A_23 = %scan3A_14 to %scan3A_16 step %scan3A_17  : i32 {
      %mul3A_24 = arith.constant 64 : i32
      %mul3A_25 = arith.muli %scan3A_23, %mul3A_24 : i32
      %add3A_26 = arith.constant 0 : i32
      %add3A_27 = arith.addi %mul3A_25, %add3A_26 : i32
      %get3A = arith.index_cast %add3A_27 : i32 to index
      %get3A_28 = tpu.vector_load %arg5[%get3A] {strides = array<i32>} : memref<32768xf32, #tpu.memory_space<vmem>>, vector<16xf32>,
      %add3A_29 = arith.constant 0 : i32
      %add3A_30 = vector.broadcast %add3A_29 : i32 to vector<16xi32>
      %add3A_31 = arith.addi %iota3A, %add3A_30 : vector<16xi32>
      %masked_sort3A = arith.constant dense<true> : vector<16xi1>
      %masked_sort3A_32, %masked_sort3A_33, %masked_sort3A_34 = tpu.sort %get3A_28, %add3A_31 masked %masked_sort3A {descending = true} : (vector<16xf32>, vector<16xi32>, vector<16xi1>) -> (vector<16xi1>, vector<16xf32>, vector<16xi32>)
      %mul3A_35 = arith.constant 64 : i32
      %mul3A_36 = arith.muli %scan3A_23, %mul3A_35 : i32
      %add3A_37 = arith.constant 16 : i32
      %add3A_38 = arith.addi %mul3A_36, %add3A_37 : i32
      %get3A_39 = arith.index_cast %add3A_38 : i32 to index
      %get3A_40 = tpu.vector_load %arg5[%get3A_39] {strides = array<i32>} : memref<32768xf32, #tpu.memory_space<vmem>>, vector<16xf32>,
      %add3A_41 = arith.constant 16 : i32
      %add3A_42 = vector.broadcast %add3A_41 : i32 to vector<16xi32>
      %add3A_43 = arith.addi %iota3A, %add3A_42 : vector<16xi32>
      %masked_sort3A_44 = arith.constant dense<true> : vector<16xi1>
      %masked_sort3A_45, %masked_sort3A_46, %masked_sort3A_47 = tpu.sort %get3A_40, %add3A_43 masked %masked_sort3A_44 {descending = true} : (vector<16xf32>, vector<16xi32>, vector<16xi1>) -> (vector<16xi1>, vector<16xf32>, vector<16xi32>)
      %mul3A_48 = arith.constant 64 : i32
      %mul3A_49 = arith.muli %scan3A_23, %mul3A_48 : i32
      %add3A_50 = arith.constant 32 : i32
      %add3A_51 = arith.addi %mul3A_49, %add3A_50 : i32
      %get3A_52 = arith.index_cast %add3A_51 : i32 to index
      %get3A_53 = tpu.vector_load %arg5[%get3A_52] {strides = array<i32>} : memref<32768xf32, #tpu.memory_space<vmem>>, vector<16xf32>,
      %add3A_54 = arith.constant 32 : i32
      %add3A_55 = vector.broadcast %add3A_54 : i32 to vector<16xi32>
      %add3A_56 = arith.addi %iota3A, %add3A_55 : vector<16xi32>
      %masked_sort3A_57 = arith.constant dense<true> : vector<16xi1>
      %masked_sort3A_58, %masked_sort3A_59, %masked_sort3A_60 = tpu.sort %get3A_53, %add3A_56 masked %masked_sort3A_57 {descending = true} : (vector<16xf32>, vector<16xi32>, vector<16xi1>) -> (vector<16xi1>, vector<16xf32>, vector<16xi32>)
      %mul3A_61 = arith.constant 64 : i32
      %mul3A_62 = arith.muli %scan3A_23, %mul3A_61 : i32
      %add3A_63 = arith.constant 48 : i32
      %add3A_64 = arith.addi %mul3A_62, %add3A_63 : i32
      %get3A_65 = arith.index_cast %add3A_64 : i32 to index
      %get3A_66 = tpu.vector_load %arg5[%get3A_65] {strides = array<i32>} : memref<32768xf32, #tpu.memory_space<vmem>>, vector<16xf32>,
      %add3A_67 = arith.constant 48 : i32
      %add3A_68 = vector.broadcast %add3A_67 : i32 to vector<16xi32>
      %add3A_69 = arith.addi %iota3A, %add3A_68 : vector<16xi32>
      %masked_sort3A_70 = arith.constant dense<true> : vector<16xi1>
      %masked_sort3A_71, %masked_sort3A_72, %masked_sort3A_73 = tpu.sort %get3A_66, %add3A_69 masked %masked_sort3A_70 {descending = true} : (vector<16xf32>, vector<16xi32>, vector<16xi1>) -> (vector<16xi1>, vector<16xf32>, vector<16xi32>)
      %rev3A = arith.constant 15 : i32
      %rev3A_74 = vector.broadcast %rev3A : i32 to vector<16xi32>
      %rev3A_75 = tpu.iota {dimensions = array<i32: 0>} : vector<16xi32>
      %rev3A_76 = arith.subi %rev3A_74, %rev3A_75 : vector<16xi32>
      %rev3A_77 = tpu.dynamic_gather %masked_sort3A_46[%rev3A_76] in [0] : vector<16xf32>, vector<16xi32> -> vector<16xf32>
      %rev3A_78 = arith.constant 15 : i32
      %rev3A_79 = vector.broadcast %rev3A_78 : i32 to vector<16xi32>
      %rev3A_80 = tpu.iota {dimensions = array<i32: 0>} : vector<16xi32>
      %rev3A_81 = arith.subi %rev3A_79, %rev3A_80 : vector<16xi32>
      %rev3A_82 = tpu.dynamic_gather %masked_sort3A_47[%rev3A_81] in [0] : vector<16xi32>, vector<16xi32> -> vector<16xi32>
      %gt3A = arith.cmpf ogt, %masked_sort3A_33, %rev3A_77 : vector<16xf32>
      %eq3A = arith.cmpf oeq, %masked_sort3A_33, %rev3A_77 : vector<16xf32>
      %lt3A_83 = arith.cmpi slt, %masked_sort3A_34, %rev3A_82 : vector<16xi32>
      %and3A = arith.andi %eq3A, %lt3A_83 : vector<16xi1>
      %or3A = arith.ori %gt3A, %and3A : vector<16xi1>
      %select_n3A = arith.select %or3A, %masked_sort3A_33, %rev3A_77 : vector<16xi1>, vector<16xf32>
      %select_n3A_84 = arith.select %or3A, %masked_sort3A_34, %rev3A_82 : vector<16xi1>, vector<16xi32>
      %masked_sort3A_85 = arith.constant dense<true> : vector<16xi1>
      %masked_sort3A_86, %masked_sort3A_87, %masked_sort3A_88 = tpu.sort %select_n3A, %select_n3A_84 masked %masked_sort3A_85 {descending = true} : (vector<16xf32>, vector<16xi32>, vector<16xi1>) -> (vector<16xi1>, vector<16xf32>, vector<16xi32>)
      %rev3A_89 = arith.constant 15 : i32
      %rev3A_90 = vector.broadcast %rev3A_89 : i32 to vector<16xi32>
      %rev3A_91 = tpu.iota {dimensions = array<i32: 0>} : vector<16xi32>
      %rev3A_92 = arith.subi %rev3A_90, %rev3A_91 : vector<16xi32>
      %rev3A_93 = tpu.dynamic_gather %masked_sort3A_72[%rev3A_92] in [0] : vector<16xf32>, vector<16xi32> -> vector<16xf32>
      %rev3A_94 = arith.constant 15 : i32
      %rev3A_95 = vector.broadcast %rev3A_94 : i32 to vector<16xi32>
      %rev3A_96 = tpu.iota {dimensions = array<i32: 0>} : vector<16xi32>
      %rev3A_97 = arith.subi %rev3A_95, %rev3A_96 : vector<16xi32>
      %rev3A_98 = tpu.dynamic_gather %masked_sort3A_73[%rev3A_97] in [0] : vector<16xi32>, vector<16xi32> -> vector<16xi32>
      %gt3A_99 = arith.cmpf ogt, %masked_sort3A_59, %rev3A_93 : vector<16xf32>
      %eq3A_100 = arith.cmpf oeq, %masked_sort3A_59, %rev3A_93 : vector<16xf32>
      %lt3A_101 = arith.cmpi slt, %masked_sort3A_60, %rev3A_98 : vector<16xi32>
      %and3A_102 = arith.andi %eq3A_100, %lt3A_101 : vector<16xi1>
      %or3A_103 = arith.ori %gt3A_99, %and3A_102 : vector<16xi1>
      %select_n3A_104 = arith.select %or3A_103, %masked_sort3A_59, %rev3A_93 : vector<16xi1>, vector<16xf32>
      %select_n3A_105 = arith.select %or3A_103, %masked_sort3A_60, %rev3A_98 : vector<16xi1>, vector<16xi32>
      %masked_sort3A_106 = arith.constant dense<true> : vector<16xi1>
      %masked_sort3A_107, %masked_sort3A_108, %masked_sort3A_109 = tpu.sort %select_n3A_104, %select_n3A_105 masked %masked_sort3A_106 {descending = true} : (vector<16xf32>, vector<16xi32>, vector<16xi1>) -> (vector<16xi1>, vector<16xf32>, vector<16xi32>)
      %rev3A_110 = arith.constant 15 : i32
      %rev3A_111 = vector.broadcast %rev3A_110 : i32 to vector<16xi32>
      %rev3A_112 = tpu.iota {dimensions = array<i32: 0>} : vector<16xi32>
      %rev3A_113 = arith.subi %rev3A_111, %rev3A_112 : vector<16xi32>
      %rev3A_114 = tpu.dynamic_gather %masked_sort3A_108[%rev3A_113] in [0] : vector<16xf32>, vector<16xi32> -> vector<16xf32>
      %rev3A_115 = arith.constant 15 : i32
      %rev3A_116 = vector.broadcast %rev3A_115 : i32 to vector<16xi32>
      %rev3A_117 = tpu.iota {dimensions = array<i32: 0>} : vector<16xi32>
      %rev3A_118 = arith.subi %rev3A_116, %rev3A_117 : vector<16xi32>
      %rev3A_119 = tpu.dynamic_gather %masked_sort3A_109[%rev3A_118] in [0] : vector<16xi32>, vector<16xi32> -> vector<16xi32>
      %gt3A_120 = arith.cmpf ogt, %masked_sort3A_87, %rev3A_114 : vector<16xf32>
      %eq3A_121 = arith.cmpf oeq, %masked_sort3A_87, %rev3A_114 : vector<16xf32>
      %lt3A_122 = arith.cmpi slt, %masked_sort3A_88, %rev3A_119 : vector<16xi32>
      %and3A_123 = arith.andi %eq3A_121, %lt3A_122 : vector<16xi1>
      %or3A_124 = arith.ori %gt3A_120, %and3A_123 : vector<16xi1>
      %select_n3A_125 = arith.select %or3A_124, %masked_sort3A_87, %rev3A_114 : vector<16xi1>, vector<16xf32>
      %select_n3A_126 = arith.select %or3A_124, %masked_sort3A_88, %rev3A_119 : vector<16xi1>, vector<16xi32>
      %masked_sort3A_127 = arith.constant dense<true> : vector<16xi1>
      %masked_sort3A_128, %masked_sort3A_129, %masked_sort3A_130 = tpu.sort %select_n3A_125, %select_n3A_126 masked %masked_sort3A_127 {descending = true} : (vector<16xf32>, vector<16xi32>, vector<16xi1>) -> (vector<16xi1>, vector<16xf32>, vector<16xi32>)
      %reduce_max3A = arith.constant true
      %reduce_max3A_131 = vector.broadcast %reduce_max3A : i1 to vector<16xi1>
      %reduce_max3A_132 = tpu.scan <max>, %masked_sort3A_129 masked %reduce_max3A_131 : vector<16xf32>, vector<16xi1> -> vector<16xf32>
      %reduce_max3A_133 = vector.extract %reduce_max3A_132[15] : f32 from vector<16xf32>
      %sub3A = vector.broadcast %reduce_max3A_133 : f32 to vector<16xf32>
      %sub3A_134 = arith.subf %masked_sort3A_129, %sub3A : vector<16xf32>
      %exp3A = math.exp %sub3A_134 : vector<16xf32>
      %jit3A = arith.constant 0.000000e+00 : f32
      %broadcast_in_dim3A_135 = vector.broadcast %jit3A : f32 to vector<16xf32>
      %select_n3A_136 = arith.select %lt3A_12, %exp3A, %broadcast_in_dim3A_135 : vector<16xi1>, vector<16xf32>
      %reduce_sum3A = arith.constant true
      %reduce_sum3A_137 = vector.broadcast %reduce_sum3A : i1 to vector<16xi1>
      %reduce_sum3A_138 = tpu.scan <sum>, %select_n3A_136 masked %reduce_sum3A_137 : vector<16xf32>, vector<16xi1> -> vector<16xf32>
      %reduce_sum3A_139 = vector.extract %reduce_sum3A_138[15] : f32 from vector<16xf32>
      %broadcast_in_dim3A_140 = vector.broadcast %reduce_sum3A_139 : f32 to vector<16xf32>
      %div3A = arith.divf %select_n3A_136, %broadcast_in_dim3A_140 : vector<16xf32>
      %mul3A_141 = arith.constant 64 : i32
      %mul3A_142 = arith.muli %scan3A_23, %mul3A_141 : i32
      %add3A_143 = vector.broadcast %mul3A_142 : i32 to vector<16xi32>
      %add3A_144 = arith.addi %add3A_143, %masked_sort3A_130 : vector<16xi32>
      tpu.vector_store_idx %arg6[%add3A_144], %div3A masked %lt3A_12 : memref<32768xf32, #tpu.memory_space<vmem>>[vector<16xi32>], vector<16xf32>, vector<16xi1>
      %mul3A_145 = arith.constant 8 : i32
      %mul3A_146 = arith.muli %scan3A_23, %mul3A_145 : i32
      %swap3A = arith.index_cast %mul3A_146 : i32 to index
      %swap3A_147 = tpu.vector_load %arg7[%swap3A] masked %lt3A_12 {strides = array<i32>} : memref<4112xi32, #tpu.memory_space<vmem>>, vector<16xi32>, vector<16xi1>
      tpu.vector_store %arg7[%swap3A], %masked_sort3A_130 masked %lt3A_12 {strides = array<i32>} : memref<4112xi32, #tpu.memory_space<vmem>>, vector<16xi32>, vector<16xi1>
    }
    %scan3A_18 = arith.constant 512 : i32
    %mul3A_19 = arith.constant 64 : i32
    %mul3A_20 = arith.muli %mul3A_2, %mul3A_19 : i32
    "tpu.region"() ({
      %run_scoped3A = tpu.sem_alloc : memref<!tpu.dma_semaphore, #tpu.memory_space<semaphore_mem>>
      %dma_start3A = tpu.memref_slice %arg3[%mul3A_20] : memref<1048576xf32, #tpu.memory_space<hbm>> -> memref<32768xf32, #tpu.memory_space<hbm>>
      %dma_start3A_23 = tpu.memref_slice %arg3[%mul3A_20] : memref<1048576xf32, #tpu.memory_space<hbm>> -> memref<32768xf32, #tpu.memory_space<hbm>>
      tpu.enqueue_dma source(%arg6 : memref<32768xf32, #tpu.memory_space<vmem>>) target(%dma_start3A_23 : memref<32768xf32, #tpu.memory_space<hbm>>) target_semaphore(%run_scoped3A : memref<!tpu.dma_semaphore, #tpu.memory_space<semaphore_mem>>)
      %dma_wait3A = tpu.memref_slice %arg3[%mul3A_20] : memref<1048576xf32, #tpu.memory_space<hbm>> -> memref<32768xf32, #tpu.memory_space<hbm>>
      %dma_wait3A_24 = tpu.memref_slice %arg3[%mul3A_20] : memref<1048576xf32, #tpu.memory_space<hbm>> -> memref<32768xf32, #tpu.memory_space<hbm>>
      tpu.wait_dma2 semaphore(%run_scoped3A : memref<!tpu.dma_semaphore, #tpu.memory_space<semaphore_mem>>) src(%arg6 : memref<32768xf32, #tpu.memory_space<vmem>>) dst(%dma_wait3A_24 : memref<32768xf32, #tpu.memory_space<hbm>>)
      tpu.yield
    }) : () -> ()
    %mul3A_21 = arith.constant 8 : i32
    %mul3A_22 = arith.muli %mul3A_2, %mul3A_21 : i32
    "tpu.region"() ({
      %run_scoped3A = tpu.sem_alloc : memref<!tpu.dma_semaphore, #tpu.memory_space<semaphore_mem>>
      %dma_start3A = arith.constant 0 : i32
      %dma_start3A_23 = tpu.memref_slice %arg7[%dma_start3A] : memref<4112xi32, #tpu.memory_space<vmem>> -> memref<4096xi32, #tpu.memory_space<vmem>>
      %dma_start3A_24 = tpu.memref_slice %arg4[%mul3A_22] : memref<131072xi32, #tpu.memory_space<hbm>> -> memref<4096xi32, #tpu.memory_space<hbm>>
      %dma_start3A_25 = tpu.memref_slice %arg4[%mul3A_22] : memref<131072xi32, #tpu.memory_space<hbm>> -> memref<4096xi32, #tpu.memory_space<hbm>>
      %dma_start3A_26 = arith.constant 0 : i32
      %dma_start3A_27 = tpu.memref_slice %arg7[%dma_start3A_26] : memref<4112xi32, #tpu.memory_space<vmem>> -> memref<4096xi32, #tpu.memory_space<vmem>>
      tpu.enqueue_dma source(%dma_start3A_27 : memref<4096xi32, #tpu.memory_space<vmem>>) target(%dma_start3A_25 : memref<4096xi32, #tpu.memory_space<hbm>>) target_semaphore(%run_scoped3A : memref<!tpu.dma_semaphore, #tpu.memory_space<semaphore_mem>>)
      %dma_wait3A = arith.constant 0 : i32
      %dma_wait3A_28 = tpu.memref_slice %arg7[%dma_wait3A] : memref<4112xi32, #tpu.memory_space<vmem>> -> memref<4096xi32, #tpu.memory_space<vmem>>
      %dma_wait3A_29 = tpu.memref_slice %arg4[%mul3A_22] : memref<131072xi32, #tpu.memory_space<hbm>> -> memref<4096xi32, #tpu.memory_space<hbm>>
      %dma_wait3A_30 = tpu.memref_slice %arg4[%mul3A_22] : memref<131072xi32, #tpu.memory_space<hbm>> -> memref<4096xi32, #tpu.memory_space<hbm>>
      %dma_wait3A_31 = arith.constant 0 : i32
      %dma_wait3A_32 = tpu.memref_slice %arg7[%dma_wait3A_31] : memref<4112xi32, #tpu.memory_space<vmem>> -> memref<4096xi32, #tpu.memory_space<vmem>>
      tpu.wait_dma2 semaphore(%run_scoped3A : memref<!tpu.dma_semaphore, #tpu.memory_space<semaphore_mem>>) src(%dma_wait3A_32 : memref<4096xi32, #tpu.memory_space<vmem>>) dst(%dma_wait3A_30 : memref<4096xi32, #tpu.memory_space<hbm>>)
      tpu.yield
    }) : () -> ()
    return
  }
}

module attributes {stable_mosaic.version = 14 : i64} {
  func.func @_matmul_kernel(%arg0: i32, %arg1: memref<1024x4096xf32, #tpu.memory_space<vmem>>, %arg2: memref<64x4096xf32, #tpu.memory_space<vmem>>, %arg3: memref<1024x64xf32, #tpu.memory_space<vmem>>) attributes {dimension_semantics = [#tpu.dimension_semantics<arbitrary>], iteration_bounds = array<i64: 16>, scalar_prefetch = 0 : i64, scratch_operands = 0 : i64, tpu.core_type = #tpu.core_type<tc>, window_params = [{transform_indices = @transform_0, window_bounds = array<i64: 1024, 4096>}, {pipeline_mode = #tpu.pipeline_mode<synchronous>, transform_indices = @transform_1, window_bounds = array<i64: 64, 4096>}, {transform_indices = @transform_2, window_bounds = array<i64: 1024, 64>}]} {
    %get3A = arith.constant 0 : index
    %get3A_0 = arith.constant 0 : index
    %get3A_1 = vector.load %arg1[%get3A, %get3A_0] : memref<1024x4096xf32, #tpu.memory_space<vmem>>, vector<1024x4096xf32>
    %get3A_2 = arith.constant 0 : index
    %get3A_3 = arith.constant 0 : index
    %get3A_4 = vector.load %arg2[%get3A_2, %get3A_3] : memref<64x4096xf32, #tpu.memory_space<vmem>>, vector<64x4096xf32>
    %dot_general3A = arith.constant dense<0.000000e+00> : vector<1024x64xf32>
    %dot_general3A_5 = tpu.matmul %get3A_1, %get3A_4, %dot_general3A {dimension_numbers = #tpu.dot_dimension_numbers<[1], [1], [0], [0], [0, 0, 1, 0], [], []>, transpose_lhs_hint = false} : vector<1024x4096xf32>, vector<64x4096xf32>, vector<1024x64xf32> -> vector<1024x64xf32>
    %swap3A = arith.constant 0 : index
    %swap3A_6 = arith.constant 0 : index
    %swap3A_7 = vector.load %arg3[%swap3A, %swap3A_6] : memref<1024x64xf32, #tpu.memory_space<vmem>>, vector<1024x64xf32>
    tpu.vector_store %arg3[%swap3A, %swap3A_6], %dot_general3A_5 {strides = array<i32>} : memref<1024x64xf32, #tpu.memory_space<vmem>>, vector<1024x64xf32>,
    return
  }
  func.func @transform_0(%arg0: i32) -> (i32, i32) {
    %c0_i32 = arith.constant 0 : i32
    %c0_i32_0 = arith.constant 0 : i32
    return %arg0, %c0_i32 : i32, i32
  }
  func.func @transform_1(%arg0: i32) -> (i32, i32) {
    %c0_i32 = arith.constant 0 : i32
    %c0_i32_0 = arith.constant 0 : i32
    %c0_i32_1 = arith.constant 0 : i32
    return %c0_i32, %c0_i32_0 : i32, i32
  }
  func.func @transform_2(%arg0: i32) -> (i32, i32) {
    %c0_i32 = arith.constant 0 : i32
    %c0_i32_0 = arith.constant 0 : i32
    return %arg0, %c0_i32 : i32, i32
  }
}

</mosaic_0001>

<sc_bundles>
// kernel: kernel.4.cloned.1.call-start
scs
__scs_entry_jumppad:
0x0: {  	(pc) =	sbr.rel $0x88, $3  }
0x1: {  	(tag) =	ssettag $0x0;
	lr =	simm.s32 $0x1  }
0x2: {  	[smem:$0x3F9F] =	sst lr;
	_ =	strace $0xD0000000  }
0x3: {  	_ = 	snop  }
0x4: {  	_ = 	snop  }
0x5: {  	_ = 	snop  }
0x6: {  	_ = 	snop  }
0x7: {  	_ = 	snop  }
__scs_overlays_trampoline_lowered:
0x8: {  	[smem:$0x3FAE] =	sst s0  }
0x9: {  	[smem:$0x3FAF] =	sst s1  }
0xa: {  	[smem:$0x3FB0] =	sst s2  }
0xb: {  	[smem:$0x3FB1] =	sst s3  }
0xc: {  	[smem:$0x3FB2] =	sst s4  }
0xd: {  	[smem:$0x3FB3] =	sst s5  }
0xe: {  	[smem:$0x3FB4] =	sst s6  }
0xf: {  	[smem:$0x3FB5] =	sst s7  }
0x10: {  	[smem:$0x3FB6] =	sst s8  }
0x11: {  	[smem:$0x3FB7] =	sst s9;
	s0 =	simm.s32 @!p0 $0x0  }
0x12: {  	s1 =	sld [smem:$0x3F9D];
	s0 =	simm.s32 @p0 $0x1  }
0x13: {  	[smem:$0x3FB8] =	sst s0;
	s0 =	simm.s32 @!p1 $0x0  }
0x14: {  	s2 =	sld [smem:$0x3F9C];
	s0 =	simm.s32 @p1 $0x1  }
0x15: {  	[smem:$0x3FB9] =	sst s0;
	s0 =	simm.s32 @!p2 $0x0  }
0x16: {  	s3 =	sld [smem:$0x3FDB];
	s0 =	simm.s32 @p2 $0x1  }
0x17: {  	s4 =	simm.s32 $0x1BF5;
	[smem:$0x3FBB] =	sst s0  }
0x18: {  	s0 =	sld [smem:$0x3F9E];
	_ =	swait.ge [sflag:s4], $0x0  }
0x19: {  	s7 =	sld [smem:$0x3F9F]  }
0x1a: {  	s8 =	sadd.s32 $0xFFFFE003, lr  }
0x1b: {  	s9 =	sadd.s32 $0xFFFFFEF7, lr;
	s5 =	simm.s32 $0xFFFFFFFF;
	p2 =	slt.u32 s8, $0xFFFFF086  }
0x1c: {  	p1 =	slt.u32 s9, $0xF7A;
	s5 =	simm.s32 @!p2 $0x0  }
0x1d: {  	s5 =	simm.s32 @p1 $0x1;
	p0 =	seq.s32 s7, s2  }
0x1e: {  	s7 =	smul.u32 @!p0 $0xF7A, s2;
	p2 =	seq.s32 @!p0 s5, $0x0  }
0x1f: {  	s9 =	smul.u32 $0xF7A, s1;
	s8 =	simm.s32 @!p0 $0x1BF5;
	p2 =	por !p2, p0  }
0x20: {  	[sflag:s8] =	ssyncset.s32 @!p0 $0xFFFFF086;
	s6 =	sadd.s32 @!p0 s3, s7;
	s7 =	simm.s32 @!p0 $0x108  }
0x21: {  	s3 =	sadd.s32 s3, s9;
	s6 =	sadd.s32 @!p0 $0x88, s6;
	s7 =	simm.s32 @p2 $0x1082  }
0x22: {  	[simem:s7], [sflag:s8] =	dma.local @!p0 [hbm:s6], $0xF7A  }
0x23: {  	s9 =	sor.u32 $0xD0000000, s2;
	s6 =	simm.s32 $0x108;
	_ =	swait.ge @!p0 [sflag:s8], $0x0  }
0x24: {  	s3 =	sadd.s32 $0x88, s3;
	s6 =	simm.s32 @!p1 $0x1082;
	[sflag:s4] =	ssyncset.s32 $0xFFFFF086  }
0x25: {  	[simem:s6], [sflag:s4] =	dma.local [hbm:s3], $0xF7A  }
0x26: {  	[smem:$0x3F9F] =	sst s1;
	(tag) =	ssettag s2;
	_ =	strace s9  }
0x27: {  	s1 =	sld [smem:$0x3FAF]  }
0x28: {  	s2 =	sld [smem:$0x3FB0]  }
0x29: {  	s4 =	sld [smem:$0x3FB2]  }
0x2a: {  	p0 =	seq.s32 s5, $0x0;
	s5 =	sld [smem:$0x3FB3]  }
0x2b: {  	s6 =	sld [smem:$0x3FB4]  }
0x2c: {  	s7 =	sld [smem:$0x3FB5]  }
0x2d: {  	s3 =	simm.s32 $0x108;
	s8 =	sld [smem:$0x3FB6]  }
0x2e: {  	s3 =	simm.s32 @!p0 $0x1082;
	s9 =	sld [smem:$0x3FB7]  }
0x2f: {  	lr =	sadd.s32 s0, s3;
	s0 =	sld [smem:$0x3FAE]  }
0x30: {  	s3 =	sld [smem:$0x3FB1]  }
0x31: {  	[smem:$0x3FBA] =	sst s10  }
0x32: {  	s10 =	sld [smem:$0x3FB8];
	_ =	sdelay $0x3  }
0x33: {  	p0 =	seq.s32 s10, $0x1;
	s10 =	sld [smem:$0x3FBA];
	_ =	sdelay $0x3  }
0x34: {  	[smem:$0x3FBA] =	sst s10  }
0x35: {  	s10 =	sld [smem:$0x3FB9];
	_ =	sdelay $0x3  }
0x36: {  	p1 =	seq.s32 s10, $0x1;
	s10 =	sld [smem:$0x3FBA];
	_ =	sdelay $0x3  }
0x37: {  	[smem:$0x3FBA] =	sst s10  }
0x38: {  	s10 =	sld [smem:$0x3FBB]  }
0x39: {  	_ = 	snop;
	(pc) =	sbr.ind lr, $3  }
0x3a: {  	_ = 	snop  }
0x3b: {  	_ = 	snop  }
0x3c: {  	p2 =	seq.s32 s10, $0x1;
	s10 =	sld [smem:$0x3FBA]  }
0x3d: {  	_ =	shalt  }
0x3e: {  	_ =	shalt  }
0x3f: {  	_ =	shalt  }
0x40: {  	_ =	shalt  }
0x41: {  	_ =	shalt  }
0x42: {  	_ =	shalt  }
0x43: {  	_ =	shalt  }
0x44: {  	_ =	shalt  }
0x45: {  	_ =	shalt  }
0x46: {  	_ =	shalt  }
0x47: {  	_ =	shalt  }
0x48: {  	_ =	shalt  }
0x49: {  	_ =	shalt  }
0x4a: {  	_ =	shalt  }
0x4b: {  	_ =	shalt  }
0x4c: {  	_ =	shalt  }
0x4d: {  	_ =	shalt  }
0x4e: {  	_ =	shalt  }
0x4f: {  	_ =	shalt  }
0x50: {  	_ =	shalt  }
0x51: {  	_ =	shalt  }
0x52: {  	_ =	shalt  }
0x53: {  	_ =	shalt  }
0x54: {  	_ =	shalt  }
0x55: {  	_ =	shalt  }
0x56: {  	_ =	shalt  }
0x57: {  	_ =	shalt  }
0x58: {  	_ =	shalt  }
0x59: {  	_ =	shalt  }
0x5a: {  	_ =	shalt  }
0x5b: {  	_ =	shalt  }
0x5c: {  	_ =	shalt  }
0x5d: {  	_ =	shalt  }
0x5e: {  	_ =	shalt  }
0x5f: {  	_ =	shalt  }
0x60: {  	_ =	shalt  }
0x61: {  	_ =	shalt  }
0x62: {  	_ =	shalt  }
0x63: {  	_ =	shalt  }
0x64: {  	_ =	shalt  }
0x65: {  	_ =	shalt  }
0x66: {  	_ =	shalt  }
0x67: {  	_ =	shalt  }
0x68: {  	_ =	shalt  }
0x69: {  	_ =	shalt  }
0x6a: {  	_ =	shalt  }
0x6b: {  	_ =	shalt  }
0x6c: {  	_ =	shalt  }
0x6d: {  	_ =	shalt  }
0x6e: {  	_ =	shalt  }
0x6f: {  	_ =	shalt  }
0x70: {  	_ =	shalt  }
0x71: {  	_ =	shalt  }
0x72: {  	_ =	shalt  }
0x73: {  	_ =	shalt  }
0x74: {  	_ =	shalt  }
0x75: {  	_ =	shalt  }
0x76: {  	_ =	shalt  }
0x77: {  	_ =	shalt  }
0x78: {  	_ =	shalt  }
0x79: {  	_ =	shalt  }
0x7a: {  	_ =	shalt  }
0x7b: {  	_ =	shalt  }
0x7c: {  	_ =	shalt  }
0x7d: {  	_ =	shalt  }
0x7e: {  	_ =	shalt  }
0x7f: {  	_ =	shalt  }
0x80: {  	_ =	shalt  }
0x81: {  	_ =	shalt  }
0x82: {  	_ =	shalt  }
0x83: {  	_ =	shalt  }
0x84: {  	_ =	shalt  }
0x85: {  	_ =	shalt  }
0x86: {  	_ =	shalt  }
0x87: {  	_ =	shalt  }
.Lfunc_end0:
.L_simem_size_0:
called_computation_lowered:
.L_overlay_start_0:
0x88: {  	s2 =	sld [smem:$0x3FD9]  }
0x89: {  	s3 =	sld [smem:$0x3FFE];
	_ =	sdelay $0x1  }
0x8a: {  	s1 =	srdreg.scid  }
0x8b: {  	s0 =	sand.u32 $0x1, s1  }
0x8c: {  	s14 =	sshll.u32 s0, $0xA;
	s2 =	sadd.s32 s3, s2  }
0x8d: {  	s2 =	sadd.s32 s2, s14  }
0x8e: {  	[smem:$0x3FC6] =	sst s2  }
0x8f: {  	_ = 	snop  }
0x90: {  	s2 =	sld [smem:$0x3FD0];
	_ =	sdelay $0x2  }
0x91: {  	s15 =	simm.s32 $0xA;
	s4 =	simm.s32 $0x10  }
0x92: {  	[smem:s4], [sflag:s15] =	dma.local [hbm:s2], $0x1  }
0x93: {  	_ =	swait.eq [sflag:s15], $0x1  }
0x94: {  	[sflag:s15] =	ssyncset.done $0x0  }
0x95: {  	s16 =	sld [smem:$0x10];
	[sflag:s15] =	ssyncadd.s32 $0xFFFFFFFF  }
0x96: {  	s17 =	sld [smem:$0x11];
	(tm) =	ssettm $0x1  }
0x97: {  	s18 =	sld [smem:$0x3FFB];
	_ =	sdelay $0x3  }
0x98: {  	_ =	strace s18  }
0x99: {  	s4 =	sld [smem:$0x3FFC];
	_ =	sdelay $0x3  }
0x9a: {  	_ =	strace s4  }
0x9b: {  	s4 =	sld [smem:$0x3FFD];
	_ =	sdelay $0x3  }
0x9c: {  	_ =	strace s4  }
0x9d: {  	_ =	strace $0x8FFFFFFF  }
0x9e: {  	s19 =	sld [smem:$0x3FDB];
	_ =	sdelay $0x1  }
0x9f: {  	s5 =	simm.s32 $_scs_section_size  }
0xa0: {  	s6 =	simm.s32 $_size__tile_overlayer_lowered;
	s7 =	simm.s32 $_tile_overlayer_lowered  }
0xa1: {  	s22 =	simm.s32 $0x1BFF;
	s21 =	sshll.u32 s7, $0x1;
	s4 =	sadd.s32 s5, s19  }
0xa2: {  	s8 =	simm.s32 $0x0;
	s20 =	sshll.u32 s6, $0x1;
	s6 =	sadd.s32 s21, s4  }
0xa3: {  	[timem:s8], [sflag:s22] =	dma.local [hbm:s6], s20  }
0xa4: {  	_ =	swait.ge [sflag:s22], s20  }
0xa5: {  	s5 =	ssub.s32 $0x0, s20;
	[sflag:s22] =	ssyncset.done $0x0  }
0xa6: {  	[sflag:s22] =	ssyncadd.s32 s5;
	_ =	sdelay $0x1  }
0xa7: {  	s23 =	simm.s32 $0x1B8B  }
0xa8: {  	_ =	swait.ge [sflag:s23], $0x1  }
0xa9: {  	[sflag:s23] =	ssyncset.done $0x0  }
0xaa: {  	s25 =	simm.s32 $0x1B8E;
	s24 =	sld [smem:$0x3FFE];
	[sflag:s23] =	ssyncadd.s32 $0xFFFFFFFF  }
0xab: {  	s26 =	simm.s32 $execute0_lowered;
	[smem:$0x3FD2] =	sst s25  }
0xac: {  	s6 =	sshll.u32 s26, $0x1;
	_ =	strace $0x80000046;
	[dreg:$0x1] =	wrdreg $0xFFFFFFFF  }
0xad: {  	s28 =	simm.s32 $_size_execute0_lowered;
	s4 =	sadd.s32 s4, s6;
	[dreg:$0x0] =	wrdreg $0x0  }
0xae: {  	s6 =	sshll.u32 s28, $0x1;
	[dreg:$0x2] =	wrdreg s4  }
0xaf: {  	[dreg:$0x3] =	wrdreg s6  }
0xb0: {  	[dreg:$0x4] =	wrdreg $0xC0  }
0xb1: {  	_ =	task [dreg:s8], $0x5FFFF  }
0xb2: {  	[dreg:$0x1] =	wrdreg $0xFFFFFFFF  }
0xb3: {  	[dreg:$0x0] =	wrdreg $0x60  }
0xb4: {  	[dreg:$0x2] =	wrdreg s16  }
0xb5: {  	[dreg:$0x3] =	wrdreg s24  }
0xb6: {  	[dreg:$0x4] =	wrdreg s17  }
0xb7: {  	[dreg:$0x5] =	wrdreg $0x9  }
0xb8: {  	_ =	task.clear_ibuf [dreg:s8], $0x6FFFF;
	_ =	strace $0x90000046  }
0xb9: {  	s29 =	simm.s32 $0x9;
	_ =	strace $0x80000048  }
0xba: {  	_ =	swait.ge [sflag:s29], $0x1  }
0xbb: {  	[sflag:s29] =	ssyncadd.s32 $0xFFFFFFFF  }
0xbc: {  	_ =	strace $0x90000048  }
0xbd: {  	_ =	sfence  }
0xbe: {  	s30 =	sld [smem:$0x0];
	_ =	sdelay $0x2  }
0xbf: {  	s31 =	sshll.u32 s1, $0xD;
	s1 =	sshrl.u32 s1, $0x2  }
0xc0: {  	s3 =	sand.u32 $0x4000, s31;
	s1 =	sadd.s32 s1, s30  }
0xc1: {  	s0 =	sor.u32 s3, s0;
	s1 =	sshll.u32 s1, $0x11  }
0xc2: {  	s0 =	sor.u32 s1, s0  }
0xc3: {  	s0 =	sadd.s32 $0x8F2B, s0  }
0xc4: {  	[sflag:s0] =	ssyncadd.remote.s32 $0x1  }
0xc5: {  	_ =	sfence.sel $0xFFFF  }
0xc6: {  	[dreg:$0x0] =	wrdreg $0xFFFFFFFF;
	(pc) =	sbr.abs _section_cstart, $3  }
0xc7: {  	[dreg:$0x1] =	wrdreg $0xFFFFFFFF  }
0xc8: {  	_ =	task.clear_ibuf [dreg:s8], $0x2FFFF;
	_ =	strace $0x9FFFFFFF  }
0xc9: {  	(tm) =	ssettm $0x7FFFFFFF  }
tec
execute0_lowered:
.L_overlay_start_1:
0x0: {  	(tag) =	ssettag $0x1  }
0x1: {  	s3 =	rddreg [dreg:$0x0]  }
0x2: {  	s4 =	rddreg [dreg:$0x1]  }
0x3: {  	s5 =	rddreg [dreg:$0x2]  }
0x4: {  	s2 =	srdreg.scid;
	s1 =	stileid.u32  }
0x5: {  	s0 =	rddreg [dreg:$0x3];
	s6 =	sand.u32 $0x1, s2;
	s7 =	sshll.u32 s1, $0x1  }
0x6: {  	s10 =	simm.s32 $0x0;
	s2 =	simm.s32 $0x0;
	s7 =	sor.u32 s6, s7  }
0x7: {  	s6 =	ssub.s32 $0x2, s6;
	[smem:$0x7FF] =	sst s2;
	s8 =	sshll.u32 s7, $0xC  }
0x8: {  	v0 =	vlaneseq.u32;
	s9 =	sshrl.u32 s6, $0x1;
	_ =	strace $0x80000047;
	s7 =	sshll.u32 s7, $0x9  }
0x9: {  	v5 =	vmul.u32 $0xFFFFFFFF, v0;
	s4 =	sadd.s32 s8, s4;
	s6 =	ssub.s32 s6, s9;
	s3 =	sadd.s32 s3, s8  }
0xa: {  	v1 =	vimm.f32 $0.0e+00;
	vm0 =	vmmov $0xff;
	v2 =	vor.u32 $0x10, v0;
	s5 =	sadd.s32 s5, s7;
	s7 =	simm.s32 $0x1;
	s8 =	simm.s32 $0x8000  }
0xb: {  	v3 =	vor.u32 $0x20, v0;
	v4 =	vor.u32 $0x30, v0;
	v5 =	vadd.s32 $0xF, v5;
	s9 =	simm.s32 $0x10000;
	s4 =	sadd.s32 $0xC00, s4;
	s6 =	smax.u32 s6, $0x1  }
.LBB2_1:
0xc: {  	[tilespmem:s2], [sflag:$0x1] =	stream.linear.gather [hbm4b:s3+s2], $0x8000, $0x38;
	[tilespmem:$0x11080] =	vst v63  }
0xd: {  	_ =	swait.ge [sflag:s7], $0x8000  }
0xe: {  	[sflag:s7] =	ssyncset.done $0x0  }
0xf: {  	s11 =	simm.s32 $0x0;
	[sflag:s7] =	ssyncadd.s32 $0xFFFF8000  }
.LBB2_2:
0x10: {  	p0 =	sne.s32 s11, $0x1FFC0  }
.Ltmp0:
0x11: {  	_ = 	snop;
	(pc) =	sbr.rel @p0 .LBB2_2-.Ltmp0, $3  }
0x12: {  	_ =	sdelay $0x1  }
0x13: {  	s12 =	sshra.s32 s11, $0x2  }
0x14: {  	s11 =	sadd.s32 $0x40, s11;
	[tilespmem:s12+$0x8000] =	vst v1  }
0x15: {  	s11 =	simm.s32 $0x20  }
0x16: {  	v6 =	vld [tilespmem:s11+$0x10]  }
0x17: {  	v7 =	vld [tilespmem:s11+$0xFFFFFFF0]  }
0x18: {  	v8 =	vld [tilespmem:s11+$0x0]  }
0x19: {  	v9 =	vld [tilespmem:s11+$0xFFFFFFE0];
	_ =	sdelay $0x1  }
0x1a: {  	(xrf1) =	vsort.dscd.msk.f32 $0xffff, v6, v4  }
0x1b: {  	(xrf1) =	vsort.dscd.msk.f32 $0xffff, v7, v2  }
0x1c: {  	(xrf1) =	vsort.dscd.msk.f32 $0xffff, v8, v3  }
0x1d: {  	(xrf1) =	vsort.dscd.msk.f32 $0xffff, v9, v0;
	_ =	sdelay $0xa  }
0x1e: {  	v6, v7, _ =	vpop (xrf1)  }
0x1f: {  	v6 =	vperm.xlane v6, v5;
	v7 =	vperm.xlane v7, v5;
	v8, v61, _ =	vpop (xrf1)  }
0x20: {  	v8 =	vperm.xlane v8, v5;
	v10, v11, _ =	vpop (xrf1)  }
0x21: {  	v9 =	vperm.xlane v61, v5;
	vm1 =	veq.f32 v10, v6;
	vm2 =	vlt.s32 v11, v7;
	v12, v13, _ =	vpop (xrf1)  }
0x22: {  	vm4 =	vgt.f32 v10, v6;
	vm3 =	vgt.f32 v12, v8;
	vm1 =	vmand vm1, vm2  }
0x23: {  	vm2 =	veq.f32 v12, v8;
	vm5 =	vlt.s32 v13, v9;
	vm1 =	vmor vm4, vm1  }
0x24: {  	vm2 =	vmand vm2, vm5;
	v6 =	vsel vm1, v10, v6;
	v7 =	vsel vm1, v11, v7  }
0x25: {  	vm1 =	vmor vm3, vm2;
	(xrf1) =	vsort.dscd.msk.f32 $0xffff, v6, v7  }
0x26: {  	v6 =	vsel vm1, v12, v8;
	v7 =	vsel vm1, v13, v9  }
0x27: {  	(xrf1) =	vsort.dscd.msk.f32 $0xffff, v6, v7;
	_ =	sdelay $0xb  }
0x28: {  	v6, v7, _ =	vpop (xrf1)  }
0x29: {  	v6 =	vperm.xlane v6, v5;
	v7 =	vperm.xlane v7, v5  }
0x2a: {  	v8, v62, _ =	vpop (xrf1)  }
0x2b: {  	vm1 =	veq.f32 v8, v6;
	vm2 =	vlt.s32 v62, v7  }
0x2c: {  	vm3 =	vgt.f32 v8, v6;
	vm1 =	vmand vm1, vm2  }
0x2d: {  	vm1 =	vmor vm3, vm1  }
0x2e: {  	v6 =	vsel vm1, v8, v6;
	v7 =	vsel vm1, v62, v7  }
0x2f: {  	(xrf1) =	vsort.dscd.msk.f32 $0xffff, v6, v7;
	_ =	sdelay $0xd  }
0x30: {  	v6, v7, _ =	vpop (xrf1)  }
0x31: {  	(xrf0) =	vmax.scan.msk.f32 $0xffff, v6;
	_ =	sdelay $0x5  }
0x32: {  	v8, _, _ =	vpop (xrf0)  }
0x33: {  	v8 =	vbroadcast v8, $0xF;
	_ =	sdelay $0x1  }
0x34: {  	v6 =	vsub.f32 v6, v8;
	_ =	sdelay $0x1  }
0x35: {  	v6 =	vmul.f32 $1.442695020e+00, v6;
	_ =	sdelay $0x1  }
0x36: {  	(erf) = vpow2.f32 v6;
	_ =	sdelay $0x8  }
0x37: {  	v6 =	vpop (erf)  }
0x38: {  	v6 =	vnsel vm0, $0x0, v6  }
0x39: {  	(xrf2) =	vadd.scan.msk.f32 $0xffff, v6;
	_ =	sdelay $0x9  }
0x3a: {  	v8, _, _ =	vpop (xrf2)  }
0x3b: {  	v8 =	vbroadcast v8, $0xF;
	_ =	sdelay $0x1  }
0x3c: {  	(erf) = vrcp.f32 v8;
	_ =	sdelay $0x5  }
0x3d: {  	s31 =	simm.s32 $0x0  }
0x3e: {  	v8 =	vadd.s32 s31, v7;
	_ =	sdelay $0x1  }
0x3f: {  	v63 =	vpop (erf)  }
0x40: {  	v6 =	vmul.f32 v63, v6;
	_ =	sdelay $0x1  }
0x41: {  	s11 =	simm.s32 $0x10000;
	[tilespmem:v8+s8+$0x0] =	vst.idx.msk $0xff, v6  }
0x42: {  	s13 =	simm.s32 $0x60;
	[tilespmem:s11+$0x0] =	vst.msk $0xff, v7  }
0x43: {  	v6 =	vld [tilespmem:s13+$0x10]  }
0x44: {  	s12 =	simm.s32 $0x40;
	s14 =	simm.s32 $0x80;
	v7 =	vld [tilespmem:s13+$0xFFFFFFF0]  }
.LBB2_4:
0x45: {  	p0 =	sne.s32 s14, $0x7FC0;
	v8 =	vld [tilespmem:s13+$0x0]  }
0x46: {  	v9 =	vld [tilespmem:s13+$0xFFFFFFE0];
	_ =	sdelay $0x1  }
0x47: {  	(xrf1) =	vsort.dscd.msk.f32 $0xffff, v6, v4  }
0x48: {  	(xrf1) =	vsort.dscd.msk.f32 $0xffff, v7, v2  }
0x49: {  	(xrf1) =	vsort.dscd.msk.f32 $0xffff, v8, v3  }
0x4a: {  	(xrf1) =	vsort.dscd.msk.f32 $0xffff, v9, v0;
	_ =	sdelay $0xa  }
0x4b: {  	v6, v7, _ =	vpop (xrf1)  }
0x4c: {  	v6 =	vperm.xlane v6, v5;
	v7 =	vperm.xlane v7, v5;
	v8, v9, _ =	vpop (xrf1)  }
0x4d: {  	v8 =	vperm.xlane v8, v5;
	v10, v11, _ =	vpop (xrf1)  }
0x4e: {  	v9 =	vperm.xlane v9, v5;
	vm1 =	veq.f32 v10, v6;
	vm2 =	vlt.s32 v11, v7;
	v12, v13, _ =	vpop (xrf1)  }
0x4f: {  	vm4 =	vgt.f32 v10, v6;
	vm3 =	vgt.f32 v12, v8;
	vm1 =	vmand vm1, vm2  }
0x50: {  	vm2 =	veq.f32 v12, v8;
	vm5 =	vlt.s32 v13, v9;
	vm1 =	vmor vm4, vm1  }
0x51: {  	vm2 =	vmand vm2, vm5;
	v6 =	vsel vm1, v10, v6;
	v7 =	vsel vm1, v11, v7  }
0x52: {  	vm1 =	vmor vm3, vm2;
	(xrf1) =	vsort.dscd.msk.f32 $0xffff, v6, v7  }
0x53: {  	v6 =	vsel vm1, v12, v8;
	v7 =	vsel vm1, v13, v9  }
0x54: {  	(xrf1) =	vsort.dscd.msk.f32 $0xffff, v6, v7;
	_ =	sdelay $0xb  }
0x55: {  	v6, v7, _ =	vpop (xrf1)  }
0x56: {  	v6 =	vperm.xlane v6, v5;
	v7 =	vperm.xlane v7, v5  }
0x57: {  	v8, v9, _ =	vpop (xrf1)  }
0x58: {  	vm1 =	veq.f32 v8, v6;
	vm2 =	vlt.s32 v9, v7  }
0x59: {  	vm3 =	vgt.f32 v8, v6;
	vm1 =	vmand vm1, vm2  }
0x5a: {  	vm1 =	vmor vm3, vm1  }
0x5b: {  	v6 =	vsel vm1, v8, v6;
	v7 =	vsel vm1, v9, v7  }
0x5c: {  	(xrf1) =	vsort.dscd.msk.f32 $0xffff, v6, v7;
	_ =	sdelay $0xd  }
0x5d: {  	v6, v7, _ =	vpop (xrf1)  }
0x5e: {  	(xrf0) =	vmax.scan.msk.f32 $0xffff, v6;
	_ =	sdelay $0x5  }
0x5f: {  	v8, _, _ =	vpop (xrf0)  }
0x60: {  	v8 =	vbroadcast v8, $0xF;
	_ =	sdelay $0x1  }
0x61: {  	v6 =	vsub.f32 v6, v8;
	_ =	sdelay $0x1  }
0x62: {  	v6 =	vmul.f32 $1.442695020e+00, v6;
	_ =	sdelay $0x1  }
0x63: {  	(erf) = vpow2.f32 v6;
	_ =	sdelay $0x8  }
0x64: {  	v6 =	vpop (erf)  }
0x65: {  	v6 =	vnsel vm0, $0x0, v6  }
0x66: {  	(xrf2) =	vadd.scan.msk.f32 $0xffff, v6;
	_ =	sdelay $0x9  }
0x67: {  	v8, _, _ =	vpop (xrf2)  }
0x68: {  	v8 =	vbroadcast v8, $0xF;
	_ =	sdelay $0x1  }
0x69: {  	(erf) = vrcp.f32 v8;
	_ =	sdelay $0x6  }
0x6a: {  	v8 =	vadd.s32 s12, v7;
	s12 =	smov.u32 s14;
	_ =	sdelay $0x1  }
0x6b: {  	v9 =	vpop (erf)  }
0x6c: {  	v6 =	vmul.f32 v9, v6  }
.Ltmp1:
0x6d: {  	(pc) =	sbr.rel @p0 .LBB2_4-.Ltmp1, $4  }
0x6e: {  	s11 =	sadd.s32 $0x8, s11;
	[tilespmem:v8+s8+$0x0] =	vst.idx.msk $0xff, v6  }
0x6f: {  	s13 =	sadd.s32 $0x40, s13;
	[tilespmem:s11+$0x0] =	vst.msk $0xff, v7  }
0x70: {  	v6 =	vld [tilespmem:s13+$0x10]  }
0x71: {  	s14 =	sadd.s32 $0x40, s14;
	v7 =	vld [tilespmem:s13+$0xFFFFFFF0]  }
0x72: {  	v8 =	vld [tilespmem:s13+$0x0]  }
0x73: {  	v9 =	vld [tilespmem:s13+$0xFFFFFFE0];
	_ =	sdelay $0x1  }
0x74: {  	(xrf1) =	vsort.dscd.msk.f32 $0xffff, v6, v4  }
0x75: {  	(xrf1) =	vsort.dscd.msk.f32 $0xffff, v7, v2  }
0x76: {  	(xrf1) =	vsort.dscd.msk.f32 $0xffff, v8, v3  }
0x77: {  	(xrf1) =	vsort.dscd.msk.f32 $0xffff, v9, v0;
	_ =	sdelay $0xa  }
0x78: {  	v6, v7, _ =	vpop (xrf1)  }
0x79: {  	v6 =	vperm.xlane v6, v5;
	v7 =	vperm.xlane v7, v5;
	v56, v57, _ =	vpop (xrf1)  }
0x7a: {  	v8 =	vperm.xlane v56, v5;
	v10, v11, _ =	vpop (xrf1)  }
0x7b: {  	v9 =	vperm.xlane v57, v5;
	vm1 =	veq.f32 v10, v6;
	vm2 =	vlt.s32 v11, v7;
	v12, v13, _ =	vpop (xrf1)  }
0x7c: {  	vm4 =	vgt.f32 v10, v6;
	vm3 =	vgt.f32 v12, v8;
	vm1 =	vmand vm1, vm2  }
0x7d: {  	vm2 =	veq.f32 v12, v8;
	vm5 =	vlt.s32 v13, v9;
	vm1 =	vmor vm4, vm1  }
0x7e: {  	vm2 =	vmand vm2, vm5;
	v6 =	vsel vm1, v10, v6;
	v7 =	vsel vm1, v11, v7  }
0x7f: {  	vm1 =	vmor vm3, vm2;
	(xrf1) =	vsort.dscd.msk.f32 $0xffff, v6, v7  }
0x80: {  	v6 =	vsel vm1, v12, v8;
	v7 =	vsel vm1, v13, v9  }
0x81: {  	(xrf1) =	vsort.dscd.msk.f32 $0xffff, v6, v7;
	_ =	sdelay $0xb  }
0x82: {  	v6, v7, _ =	vpop (xrf1)  }
0x83: {  	v6 =	vperm.xlane v6, v5;
	v7 =	vperm.xlane v7, v5  }
0x84: {  	v58, v59, _ =	vpop (xrf1)  }
0x85: {  	vm1 =	veq.f32 v58, v6;
	vm2 =	vlt.s32 v59, v7  }
0x86: {  	vm3 =	vgt.f32 v58, v6;
	vm1 =	vmand vm1, vm2  }
0x87: {  	vm1 =	vmor vm3, vm1  }
0x88: {  	v6 =	vsel vm1, v58, v6;
	v7 =	vsel vm1, v59, v7  }
0x89: {  	(xrf1) =	vsort.dscd.msk.f32 $0xffff, v6, v7;
	_ =	sdelay $0xd  }
0x8a: {  	v6, v7, _ =	vpop (xrf1)  }
0x8b: {  	(xrf0) =	vmax.scan.msk.f32 $0xffff, v6;
	_ =	sdelay $0x5  }
0x8c: {  	v60, _, _ =	vpop (xrf0)  }
0x8d: {  	v8 =	vbroadcast v60, $0xF;
	_ =	sdelay $0x1  }
0x8e: {  	v6 =	vsub.f32 v6, v8;
	_ =	sdelay $0x1  }
0x8f: {  	v6 =	vmul.f32 $1.442695020e+00, v6;
	_ =	sdelay $0x1  }
0x90: {  	(erf) = vpow2.f32 v6;
	_ =	sdelay $0x8  }
0x91: {  	v6 =	vpop (erf)  }
0x92: {  	v6 =	vnsel vm0, $0x0, v6  }
0x93: {  	(xrf2) =	vadd.scan.msk.f32 $0xffff, v6;
	_ =	sdelay $0x9  }
0x94: {  	v61, _, _ =	vpop (xrf2)  }
0x95: {  	v8 =	vbroadcast v61, $0xF;
	_ =	sdelay $0x1  }
0x96: {  	(erf) = vrcp.f32 v8;
	_ =	sdelay $0x6  }
0x97: {  	v62 =	vadd.s32 s12, v7;
	_ =	sdelay $0x1  }
0x98: {  	v63 =	vpop (erf)  }
0x99: {  	v6 =	vmul.f32 v63, v6;
	_ =	sdelay $0x1  }
0x9a: {  	s11 =	sadd.s32 $0x8, s11;
	[tilespmem:v62+s8+$0x0] =	vst.idx.msk $0xff, v6  }
0x9b: {  	[tilespmem:s11+$0x0] =	vst.msk $0xff, v7  }
0x9c: {  	[hbm4b:s4+s2] =	stream.linear.scatter [tilespmem:s8], [sflag:$0x1], $0x8000, $0x38;
	[tilespmem:$0x11080] =	vst v63  }
0x9d: {  	s10 =	sadd.s32 $0x1, s10;
	_ =	swait.ge [sflag:s7], $0x8000  }
0x9e: {  	p0 =	sne.s32 s10, s6;
	[sflag:s7] =	ssyncset.done $0x0  }
.Ltmp2:
0x9f: {  	[sflag:s7] =	ssyncadd.s32 $0xFFFF8000;
	(pc) =	sbr.rel @p0 .LBB2_1-.Ltmp2, $4  }
0xa0: {  	[hbm4b:s5+s2] =	stream.linear.scatter [tilespmem:s9], [sflag:$0x1], $0x1000, $0x38;
	[tilespmem:$0x11080] =	vst v63  }
0xa1: {  	_ =	swait.ge [sflag:s7], $0x1000  }
0xa2: {  	[sflag:s7] =	ssyncset.done $0x0  }
0xa3: {  	[sflag:s7] =	ssyncadd.s32 $0xFFFFF000  }
0xa4: {  	_ =	sfence.sel $0x180000  }
0xa5: {  	[bflag:$0x0] =	sbarrier.arrive $0xFFFF  }
0xa6: {  	p0 =	sne.s32 s1, $0x0;
	_ =	strace $0x90000047  }
0xa7: {  	s0 =	sadd.s32 @!p0 $0x100000, s0;
	[bflag:$0x2] =	sbarrier.arrive $0xFFFF  }
0xa8: {  	[sflag:s0] =	ssyncadd.tile.s32 @!p0 $0x1;
	_ =	shalt  }
.Lfunc_end2:
_tile_overlayer_lowered:
.L_overlay_start_2:
0xa9: {  	(tag) =	ssettag $0x2  }
0xaa: {  	s0 =	rddreg [dreg:$0x0];
	s2 =	stileid.u32  }
0xab: {  	s1 =	rddreg [dreg:$0x1];
	p0 =	sne.s32 s2, $0x0  }
0xac: {  	s3 =	rddreg [dreg:$0x2];
	[bflag:$0x3] =	sbarrier.arrive $0xFFFF;
	s2 =	simm.s32 @!p0 $0x1C01  }
0xad: {  	[timem:s3], [sflag:s2] =	dma.local @!p0 [hbm:s0], s1  }
0xae: {  	s0 =	simm.s32 @!p0 $0x1  }
0xaf: {  	_ =	swait.ge @!p0 [sflag:s0], s1  }
0xb0: {  	s1 =	ssub.s32 @!p0 $0x0, s1;
	[sflag:s0] =	ssyncset.done @!p0 $0x0  }
0xb1: {  	[sflag:s0] =	ssyncadd.s32 @!p0 s1  }
0xb2: {  	[bflag:$0x3] =	sbarrier.arrive $0xFFFF  }
0xb3: {  	_ =	shalt  }

</sc_bundles>
